<compile_context>
chip_gen: v7x
topology: tpu7x:2x2x1
jax: 0.10.2.dev20260603
libtpu: 0.0.44.dev20260713+nightly
codegen_flags: <defaults>
</compile_context>

<pallas_src>
import functools

import jax
import jax.numpy as jnp
from jax import lax
from jax.experimental import pallas as pl
from jax.experimental.pallas import tpu as pltpu
from jax.experimental.pallas import tpu_sc as plsc

B = 16384
F = 26
NC = 2
NS = 16
NW = NC * NS
BW = B // NW
G = 128
TPW = BW // G
IPW = F * BW
LANES = 16


_mesh = plsc.VectorSubcoreMesh(core_axis_name="c", subcore_axis_name="s")


@functools.partial(
    pl.kernel,
    out_type=jax.ShapeDtypeStruct((B,), jnp.float32),
    mesh=_mesh,
    scratch_types=[
        pltpu.VMEM((F, TPW, G), jnp.int32),
        pltpu.VMEM((IPW,), jnp.float32),
        pltpu.VMEM((BW,), jnp.float32),
        pltpu.VMEM((BW,), jnp.float32),
        pltpu.VMEM((LANES,), jnp.float32),
        pltpu.SemaphoreType.DMA,
        pltpu.SemaphoreType.DMA((F,)),
    ],
)
def _lr_sc(xt3_hbm, tbl_hbm, bias_hbm, out_hbm, idx_v, rows_v, acc_v,
           out_v, bias_v, sem_i, sem_g):
    wid = lax.axis_index("c") * NS + lax.axis_index("s")
    base = wid * BW

    ci = pltpu.async_copy(xt3_hbm.at[:, pl.ds(wid * TPW, TPW), :], idx_v,
                          sem_i)
    cb = pltpu.async_copy(bias_hbm, bias_v.at[pl.ds(0, 1)], sem_i)
    ci.wait()

    @pl.loop(0, F)
    def _fire(f):
        for t in range(TPW):
            pltpu.async_copy(
                tbl_hbm.at[idx_v.at[f, t]],
                rows_v.at[pl.ds(f * BW + t * G, G)],
                sem_g.at[f],
            )

    def _wait_field(f):
        pltpu.make_async_copy(
            tbl_hbm.at[pl.ds(0, BW)], rows_v.at[pl.ds(f * BW, BW)],
            sem_g.at[f],
        ).wait()

    _wait_field(0)

    @pl.loop(0, BW // LANES)
    def _init(c):
        off = c * LANES
        acc_v[pl.ds(off, LANES)] = rows_v[pl.ds(off, LANES)]

    @pl.loop(1, F - 1)
    def _acc(f):
        _wait_field(f)

        @pl.loop(0, BW // LANES)
        def _add(c):
            off = c * LANES
            acc_v[pl.ds(off, LANES)] += rows_v[pl.ds(f * BW + off, LANES)]

    _wait_field(F - 1)
    cb.wait()
    b = bias_v[pl.ds(0, LANES)][0]

    @pl.loop(0, BW // LANES)
    def _fin(c):
        off = c * LANES
        z = (acc_v[pl.ds(off, LANES)]
             + rows_v[pl.ds((F - 1) * BW + off, LANES)] + b)
        out_v[pl.ds(off, LANES)] = 1.0 / (1.0 + jnp.exp(-z))

    pltpu.sync_copy(out_v, out_hbm.at[pl.ds(base, BW)])


def kernel(x, table, bias):
    xt3 = x.astype(jnp.int32).T.reshape(F, B // G, G)
    out = _lr_sc(xt3, table.reshape(-1), bias.astype(jnp.float32))
    return out.reshape(B, 1)

# --- scband reference (transcript-rebuilt; emitter-appended) ---
"""Pipeline reference for scband-logistic-regression-79250736546635 (READ-ONLY COPY).

The authoritative reference and input builder live on the scoring server;
editing this copy changes nothing except your own understanding.
"""

import jax, jax.numpy as jnp
import numpy as np


def setup_inputs(seed: int = 0) -> dict:
    key = jax.random.key(seed)
    x = jax.random.randint(jax.random.fold_in(key, 0), (16384, 26), 0, 1000000, dtype=jnp.int64)
    # FeatureEmbedding(feature_nums=1000000, 1): embedding table [vocab, 1]
    table = jax.random.normal(jax.random.fold_in(key, 1), (1000000, 1), dtype=jnp.float32) * 0.01
    bias = jnp.zeros((1,), dtype=jnp.float32)
    return {"x": x, "table": table, "bias": bias}


def reference(x, table, bias):
    # self.linear(x): embedding lookup -> [B, n_fields, 1]
    emb = jnp.take(table, x, axis=0)
    # .sum(dim=1) -> [B, 1]; + bias; sigmoid
    output = emb.sum(axis=1) + bias
    return jax.nn.sigmoid(output)

if __name__ == "__main__":
    import jax
    _d = setup_inputs()
    print(jax.jit(kernel)(*tuple(_d.values())))

</pallas_src>

<mosaic_0001>
#map = affine_map<(d0, d1) -> (0, 0, 0)>
#map1 = affine_map<(d0, d1) -> (0)>
module attributes {stable_mosaic.version = 14 : i64} {
  func.func @_lr_sc(%arg0: i32, %arg1: i32, %arg2: memref<26x128x128xi32, #tpu.memory_space<hbm>>, %arg3: memref<1000000xf32, #tpu.memory_space<hbm>>, %arg4: memref<1xf32, #tpu.memory_space<hbm>>, %arg5: memref<16384xf32, #tpu.memory_space<hbm>>, %arg6: memref<26x4x128xi32, #tpu.memory_space<vmem>>, %arg7: memref<13312xf32, #tpu.memory_space<vmem>>, %arg8: memref<512xf32, #tpu.memory_space<vmem>>, %arg9: memref<512xf32, #tpu.memory_space<vmem>>, %arg10: memref<16xf32, #tpu.memory_space<vmem>>, %arg11: memref<!tpu.dma_semaphore, #tpu.memory_space<semaphore_mem>>, %arg12: memref<26x!tpu.dma_semaphore, #tpu.memory_space<semaphore_mem>>) attributes {dimension_semantics = [#tpu.dimension_semantics<core_parallel>, #tpu.dimension_semantics<subcore_parallel>], iteration_bounds = array<i64: 2, 16>, scalar_prefetch = 0 : i64, scratch_operands = 7 : i64, tpu.core_type = #tpu.core_type<sc_vector_subcore>, window_params = [{transform_indices = #map}, {transform_indices = #map1}, {transform_indices = #map1}, {transform_indices = #map1}]} {
    %mul3A = arith.constant 16 : i32
    %mul3A_0 = arith.muli %arg0, %mul3A : i32
    %add3A = arith.addi %mul3A_0, %arg1 : i32
    %mul3A_1 = arith.constant 512 : i32
    %mul3A_2 = arith.muli %add3A, %mul3A_1 : i32
    %mul3A_3 = arith.constant 4 : i32
    %mul3A_4 = arith.muli %add3A, %mul3A_3 : i32
    %dma_start3A = arith.constant 0 : i32
    %dma_start3A_5 = arith.constant 0 : i32
    %dma_start3A_6 = tpu.memref_slice %arg2[%dma_start3A, %mul3A_4, %dma_start3A_5] : memref<26x128x128xi32, #tpu.memory_space<hbm>> -> memref<26x4x128xi32, #tpu.memory_space<hbm>>
    %dma_start3A_7 = arith.constant 0 : i32
    %dma_start3A_8 = arith.constant 0 : i32
    %dma_start3A_9 = tpu.memref_slice %arg2[%dma_start3A_7, %mul3A_4, %dma_start3A_8] : memref<26x128x128xi32, #tpu.memory_space<hbm>> -> memref<26x4x128xi32, #tpu.memory_space<hbm>>
    tpu.enqueue_dma source(%dma_start3A_9 : memref<26x4x128xi32, #tpu.memory_space<hbm>>) target(%arg6 : memref<26x4x128xi32, #tpu.memory_space<vmem>>) target_semaphore(%arg11 : memref<!tpu.dma_semaphore, #tpu.memory_space<semaphore_mem>>)
    %dma_start3A_10 = arith.constant 0 : i32
    %dma_start3A_11 = tpu.memref_slice %arg10[%dma_start3A_10] : memref<16xf32, #tpu.memory_space<vmem>> -> memref<1xf32, #tpu.memory_space<vmem>>
    %dma_start3A_12 = arith.constant 0 : i32
    %dma_start3A_13 = tpu.memref_slice %arg10[%dma_start3A_12] : memref<16xf32, #tpu.memory_space<vmem>> -> memref<1xf32, #tpu.memory_space<vmem>>
    tpu.enqueue_dma source(%arg4 : memref<1xf32, #tpu.memory_space<hbm>>) target(%dma_start3A_13 : memref<1xf32, #tpu.memory_space<vmem>>) target_semaphore(%arg11 : memref<!tpu.dma_semaphore, #tpu.memory_space<semaphore_mem>>)
    %dma_wait3A = arith.constant 0 : i32
    %dma_wait3A_14 = arith.constant 0 : i32
    %dma_wait3A_15 = tpu.memref_slice %arg2[%dma_wait3A, %mul3A_4, %dma_wait3A_14] : memref<26x128x128xi32, #tpu.memory_space<hbm>> -> memref<26x4x128xi32, #tpu.memory_space<hbm>>
    %dma_wait3A_16 = arith.constant 0 : i32
    %dma_wait3A_17 = arith.constant 0 : i32
    %dma_wait3A_18 = tpu.memref_slice %arg2[%dma_wait3A_16, %mul3A_4, %dma_wait3A_17] : memref<26x128x128xi32, #tpu.memory_space<hbm>> -> memref<26x4x128xi32, #tpu.memory_space<hbm>>
    tpu.wait_dma2 semaphore(%arg11 : memref<!tpu.dma_semaphore, #tpu.memory_space<semaphore_mem>>) src(%dma_wait3A_18 : memref<26x4x128xi32, #tpu.memory_space<hbm>>) dst(%arg6 : memref<26x4x128xi32, #tpu.memory_space<vmem>>)
    %scan3A = arith.constant 0 : i32
    %scan3A_19 = arith.constant 26 : i32
    %scan3A_20 = arith.addi %scan3A, %scan3A_19 : i32
    %scan3A_21 = arith.constant 1 : i32
    scf.for %scan3A_66 = %scan3A to %scan3A_20 step %scan3A_21  : i32 {
      %mul3A_67 = arith.constant 1 : i32
      %mul3A_68 = arith.muli %scan3A_66, %mul3A_67 : i32
      %add3A_69 = arith.constant 0 : i32
      %add3A_70 = arith.addi %add3A_69, %mul3A_68 : i32
      %mul3A_71 = arith.constant 512 : i32
      %mul3A_72 = arith.muli %add3A_70, %mul3A_71 : i32
      %add3A_73 = arith.constant 0 : i32
      %add3A_74 = arith.addi %mul3A_72, %add3A_73 : i32
      %dma_start3A_75 = arith.constant 0 : i32
      %dma_start3A_76 = tpu.memref_slice %arg7[%add3A_74] : memref<13312xf32, #tpu.memory_space<vmem>> -> memref<128xf32, #tpu.memory_space<vmem>>
      %dma_start3A_77 = arith.constant 0 : i32
      %dma_start3A_78 = tpu.memref_slice %arg6[%add3A_70, %dma_start3A_75, %dma_start3A_77] : memref<26x4x128xi32, #tpu.memory_space<vmem>> -> memref<1x1x128xi32, #tpu.memory_space<vmem>>
      %dma_start3A_79 = tpu.memref_squeeze %dma_start3A_78 : memref<1x1x128xi32, #tpu.memory_space<vmem>> -> memref<128xi32, #tpu.memory_space<vmem>>
      %dma_start3A_80 = arith.constant 0 : i32
      %dma_start3A_81 = tpu.memref_slice %arg3[%dma_start3A_80] : memref<1000000xf32, #tpu.memory_space<hbm>> -> memref<1000000xf32, #tpu.memory_space<hbm>>
      %dma_start3A_82 = tpu.memref_slice %arg12[%add3A_70] : memref<26x!tpu.dma_semaphore, #tpu.memory_space<semaphore_mem>> -> memref<1x!tpu.dma_semaphore, #tpu.memory_space<semaphore_mem>>
      %dma_start3A_83 = tpu.memref_squeeze %dma_start3A_82 : memref<1x!tpu.dma_semaphore, #tpu.memory_space<semaphore_mem>> -> memref<!tpu.dma_semaphore, #tpu.memory_space<semaphore_mem>>
      tpu.enqueue_indirect_dma source(%dma_start3A_81 : memref<1000000xf32, #tpu.memory_space<hbm>>) target(%dma_start3A_76 : memref<128xf32, #tpu.memory_space<vmem>>) offsets(%dma_start3A_79 : memref<128xi32, #tpu.memory_space<vmem>>) semaphore(%dma_start3A_83 : memref<!tpu.dma_semaphore, #tpu.memory_space<semaphore_mem>>)
      %mul3A_84 = arith.constant 512 : i32
      %mul3A_85 = arith.muli %add3A_70, %mul3A_84 : i32
      %add3A_86 = arith.constant 128 : i32
      %add3A_87 = arith.addi %mul3A_85, %add3A_86 : i32
      %dma_start3A_88 = arith.constant 1 : i32
      %dma_start3A_89 = tpu.memref_slice %arg7[%add3A_87] : memref<13312xf32, #tpu.memory_space<vmem>> -> memref<128xf32, #tpu.memory_space<vmem>>
      %dma_start3A_90 = arith.constant 0 : i32
      %dma_start3A_91 = tpu.memref_slice %arg6[%add3A_70, %dma_start3A_88, %dma_start3A_90] : memref<26x4x128xi32, #tpu.memory_space<vmem>> -> memref<1x1x128xi32, #tpu.memory_space<vmem>>
      %dma_start3A_92 = tpu.memref_squeeze %dma_start3A_91 : memref<1x1x128xi32, #tpu.memory_space<vmem>> -> memref<128xi32, #tpu.memory_space<vmem>>
      %dma_start3A_93 = arith.constant 0 : i32
      %dma_start3A_94 = tpu.memref_slice %arg3[%dma_start3A_93] : memref<1000000xf32, #tpu.memory_space<hbm>> -> memref<1000000xf32, #tpu.memory_space<hbm>>
      %dma_start3A_95 = tpu.memref_slice %arg12[%add3A_70] : memref<26x!tpu.dma_semaphore, #tpu.memory_space<semaphore_mem>> -> memref<1x!tpu.dma_semaphore, #tpu.memory_space<semaphore_mem>>
      %dma_start3A_96 = tpu.memref_squeeze %dma_start3A_95 : memref<1x!tpu.dma_semaphore, #tpu.memory_space<semaphore_mem>> -> memref<!tpu.dma_semaphore, #tpu.memory_space<semaphore_mem>>
      tpu.enqueue_indirect_dma source(%dma_start3A_94 : memref<1000000xf32, #tpu.memory_space<hbm>>) target(%dma_start3A_89 : memref<128xf32, #tpu.memory_space<vmem>>) offsets(%dma_start3A_92 : memref<128xi32, #tpu.memory_space<vmem>>) semaphore(%dma_start3A_96 : memref<!tpu.dma_semaphore, #tpu.memory_space<semaphore_mem>>)
      %mul3A_97 = arith.constant 512 : i32
      %mul3A_98 = arith.muli %add3A_70, %mul3A_97 : i32
      %add3A_99 = arith.constant 256 : i32
      %add3A_100 = arith.addi %mul3A_98, %add3A_99 : i32
      %dma_start3A_101 = arith.constant 2 : i32
      %dma_start3A_102 = tpu.memref_slice %arg7[%add3A_100] : memref<13312xf32, #tpu.memory_space<vmem>> -> memref<128xf32, #tpu.memory_space<vmem>>
      %dma_start3A_103 = arith.constant 0 : i32
      %dma_start3A_104 = tpu.memref_slice %arg6[%add3A_70, %dma_start3A_101, %dma_start3A_103] : memref<26x4x128xi32, #tpu.memory_space<vmem>> -> memref<1x1x128xi32, #tpu.memory_space<vmem>>
      %dma_start3A_105 = tpu.memref_squeeze %dma_start3A_104 : memref<1x1x128xi32, #tpu.memory_space<vmem>> -> memref<128xi32, #tpu.memory_space<vmem>>
      %dma_start3A_106 = arith.constant 0 : i32
      %dma_start3A_107 = tpu.memref_slice %arg3[%dma_start3A_106] : memref<1000000xf32, #tpu.memory_space<hbm>> -> memref<1000000xf32, #tpu.memory_space<hbm>>
      %dma_start3A_108 = tpu.memref_slice %arg12[%add3A_70] : memref<26x!tpu.dma_semaphore, #tpu.memory_space<semaphore_mem>> -> memref<1x!tpu.dma_semaphore, #tpu.memory_space<semaphore_mem>>
      %dma_start3A_109 = tpu.memref_squeeze %dma_start3A_108 : memref<1x!tpu.dma_semaphore, #tpu.memory_space<semaphore_mem>> -> memref<!tpu.dma_semaphore, #tpu.memory_space<semaphore_mem>>
      tpu.enqueue_indirect_dma source(%dma_start3A_107 : memref<1000000xf32, #tpu.memory_space<hbm>>) target(%dma_start3A_102 : memref<128xf32, #tpu.memory_space<vmem>>) offsets(%dma_start3A_105 : memref<128xi32, #tpu.memory_space<vmem>>) semaphore(%dma_start3A_109 : memref<!tpu.dma_semaphore, #tpu.memory_space<semaphore_mem>>)
      %mul3A_110 = arith.constant 512 : i32
      %mul3A_111 = arith.muli %add3A_70, %mul3A_110 : i32
      %add3A_112 = arith.constant 384 : i32
      %add3A_113 = arith.addi %mul3A_111, %add3A_112 : i32
      %dma_start3A_114 = arith.constant 3 : i32
      %dma_start3A_115 = tpu.memref_slice %arg7[%add3A_113] : memref<13312xf32, #tpu.memory_space<vmem>> -> memref<128xf32, #tpu.memory_space<vmem>>
      %dma_start3A_116 = arith.constant 0 : i32
      %dma_start3A_117 = tpu.memref_slice %arg6[%add3A_70, %dma_start3A_114, %dma_start3A_116] : memref<26x4x128xi32, #tpu.memory_space<vmem>> -> memref<1x1x128xi32, #tpu.memory_space<vmem>>
      %dma_start3A_118 = tpu.memref_squeeze %dma_start3A_117 : memref<1x1x128xi32, #tpu.memory_space<vmem>> -> memref<128xi32, #tpu.memory_space<vmem>>
      %dma_start3A_119 = arith.constant 0 : i32
      %dma_start3A_120 = tpu.memref_slice %arg3[%dma_start3A_119] : memref<1000000xf32, #tpu.memory_space<hbm>> -> memref<1000000xf32, #tpu.memory_space<hbm>>
      %dma_start3A_121 = tpu.memref_slice %arg12[%add3A_70] : memref<26x!tpu.dma_semaphore, #tpu.memory_space<semaphore_mem>> -> memref<1x!tpu.dma_semaphore, #tpu.memory_space<semaphore_mem>>
      %dma_start3A_122 = tpu.memref_squeeze %dma_start3A_121 : memref<1x!tpu.dma_semaphore, #tpu.memory_space<semaphore_mem>> -> memref<!tpu.dma_semaphore, #tpu.memory_space<semaphore_mem>>
      tpu.enqueue_indirect_dma source(%dma_start3A_120 : memref<1000000xf32, #tpu.memory_space<hbm>>) target(%dma_start3A_115 : memref<128xf32, #tpu.memory_space<vmem>>) offsets(%dma_start3A_118 : memref<128xi32, #tpu.memory_space<vmem>>) semaphore(%dma_start3A_122 : memref<!tpu.dma_semaphore, #tpu.memory_space<semaphore_mem>>)
    }
    %scan3A_22 = arith.constant 26 : i32
    %dma_wait3A_23 = arith.constant 0 : i32
    %dma_wait3A_24 = arith.constant 0 : i32
    %dma_wait3A_25 = tpu.memref_slice %arg7[%dma_wait3A_24] : memref<13312xf32, #tpu.memory_space<vmem>> -> memref<512xf32, #tpu.memory_space<vmem>>
    %dma_wait3A_26 = arith.constant 0 : i32
    %dma_wait3A_27 = tpu.memref_slice %arg3[%dma_wait3A_26] : memref<1000000xf32, #tpu.memory_space<hbm>> -> memref<512xf32, #tpu.memory_space<hbm>>
    %dma_wait3A_28 = tpu.memref_slice %arg12[%dma_wait3A_23] : memref<26x!tpu.dma_semaphore, #tpu.memory_space<semaphore_mem>> -> memref<1x!tpu.dma_semaphore, #tpu.memory_space<semaphore_mem>>
    %dma_wait3A_29 = tpu.memref_squeeze %dma_wait3A_28 : memref<1x!tpu.dma_semaphore, #tpu.memory_space<semaphore_mem>> -> memref<!tpu.dma_semaphore, #tpu.memory_space<semaphore_mem>>
    %dma_wait3A_30 = arith.constant 0 : i32
    %dma_wait3A_31 = tpu.memref_slice %arg7[%dma_wait3A_30] : memref<13312xf32, #tpu.memory_space<vmem>> -> memref<512xf32, #tpu.memory_space<vmem>>
    %dma_wait3A_32 = arith.constant 0 : i32
    %dma_wait3A_33 = tpu.memref_slice %arg3[%dma_wait3A_32] : memref<1000000xf32, #tpu.memory_space<hbm>> -> memref<512xf32, #tpu.memory_space<hbm>>
    tpu.wait_dma2 semaphore(%dma_wait3A_29 : memref<!tpu.dma_semaphore, #tpu.memory_space<semaphore_mem>>) src(%dma_wait3A_33 : memref<512xf32, #tpu.memory_space<hbm>>) dst(%dma_wait3A_31 : memref<512xf32, #tpu.memory_space<vmem>>)
    %scan3A_34 = arith.constant 0 : i32
    %scan3A_35 = arith.constant 32 : i32
    %scan3A_36 = arith.addi %scan3A_34, %scan3A_35 : i32
    %scan3A_37 = arith.constant 1 : i32
    scf.for %scan3A_66 = %scan3A_34 to %scan3A_36 step %scan3A_37  : i32 {
      %mul3A_67 = arith.constant 1 : i32
      %mul3A_68 = arith.muli %scan3A_66, %mul3A_67 : i32
      %add3A_69 = arith.constant 0 : i32
      %add3A_70 = arith.addi %add3A_69, %mul3A_68 : i32
      %mul3A_71 = arith.constant 16 : i32
      %mul3A_72 = arith.muli %add3A_70, %mul3A_71 : i32
      %get3A_73 = arith.index_cast %mul3A_72 : i32 to index
      %get3A_74 = tpu.vector_load %arg7[%get3A_73] {strides = array<i32>} : memref<13312xf32, #tpu.memory_space<vmem>>, vector<16xf32>,
      %get3A_75 = vector.shape_cast %get3A_74 : vector<16xf32> to vector<16xf32>
      %swap3A = arith.index_cast %mul3A_72 : i32 to index
      %swap3A_76 = tpu.vector_load %arg8[%swap3A] {strides = array<i32>} : memref<512xf32, #tpu.memory_space<vmem>>, vector<16xf32>,
      %swap3A_77 = vector.shape_cast %swap3A_76 : vector<16xf32> to vector<16xf32>
      %swap3A_78 = vector.shape_cast %get3A_75 : vector<16xf32> to vector<16xf32>
      tpu.vector_store %arg8[%swap3A], %swap3A_78 {strides = array<i32>} : memref<512xf32, #tpu.memory_space<vmem>>, vector<16xf32>,
    }
    %scan3A_38 = arith.constant 32 : i32
    %scan3A_39 = arith.constant 0 : i32
    %scan3A_40 = arith.constant 24 : i32
    %scan3A_41 = arith.addi %scan3A_39, %scan3A_40 : i32
    %scan3A_42 = arith.constant 1 : i32
    scf.for %scan3A_66 = %scan3A_39 to %scan3A_41 step %scan3A_42  : i32 {
      %mul3A_67 = arith.constant 1 : i32
      %mul3A_68 = arith.muli %scan3A_66, %mul3A_67 : i32
      %add3A_69 = arith.constant 1 : i32
      %add3A_70 = arith.addi %add3A_69, %mul3A_68 : i32
      %mul3A_71 = arith.constant 512 : i32
      %mul3A_72 = arith.muli %add3A_70, %mul3A_71 : i32
      %dma_wait3A_73 = tpu.memref_slice %arg7[%mul3A_72] : memref<13312xf32, #tpu.memory_space<vmem>> -> memref<512xf32, #tpu.memory_space<vmem>>
      %dma_wait3A_74 = arith.constant 0 : i32
      %dma_wait3A_75 = tpu.memref_slice %arg3[%dma_wait3A_74] : memref<1000000xf32, #tpu.memory_space<hbm>> -> memref<512xf32, #tpu.memory_space<hbm>>
      %dma_wait3A_76 = tpu.memref_slice %arg12[%add3A_70] : memref<26x!tpu.dma_semaphore, #tpu.memory_space<semaphore_mem>> -> memref<1x!tpu.dma_semaphore, #tpu.memory_space<semaphore_mem>>
      %dma_wait3A_77 = tpu.memref_squeeze %dma_wait3A_76 : memref<1x!tpu.dma_semaphore, #tpu.memory_space<semaphore_mem>> -> memref<!tpu.dma_semaphore, #tpu.memory_space<semaphore_mem>>
      %dma_wait3A_78 = tpu.memref_slice %arg7[%mul3A_72] : memref<13312xf32, #tpu.memory_space<vmem>> -> memref<512xf32, #tpu.memory_space<vmem>>
      %dma_wait3A_79 = arith.constant 0 : i32
      %dma_wait3A_80 = tpu.memref_slice %arg3[%dma_wait3A_79] : memref<1000000xf32, #tpu.memory_space<hbm>> -> memref<512xf32, #tpu.memory_space<hbm>>
      tpu.wait_dma2 semaphore(%dma_wait3A_77 : memref<!tpu.dma_semaphore, #tpu.memory_space<semaphore_mem>>) src(%dma_wait3A_80 : memref<512xf32, #tpu.memory_space<hbm>>) dst(%dma_wait3A_78 : memref<512xf32, #tpu.memory_space<vmem>>)
      %scan3A_81 = arith.constant 0 : i32
      %scan3A_82 = arith.constant 32 : i32
      %scan3A_83 = arith.addi %scan3A_81, %scan3A_82 : i32
      %scan3A_84 = arith.constant 1 : i32
      scf.for %scan3A_86 = %scan3A_81 to %scan3A_83 step %scan3A_84  : i32 {
        %mul3A_87 = arith.constant 1 : i32
        %mul3A_88 = arith.muli %scan3A_86, %mul3A_87 : i32
        %add3A_89 = arith.constant 0 : i32
        %add3A_90 = arith.addi %add3A_89, %mul3A_88 : i32
        %mul3A_91 = arith.constant 16 : i32
        %mul3A_92 = arith.muli %add3A_90, %mul3A_91 : i32
        %get3A_93 = arith.index_cast %mul3A_92 : i32 to index
        %get3A_94 = tpu.vector_load %arg8[%get3A_93] {strides = array<i32>} : memref<512xf32, #tpu.memory_space<vmem>>, vector<16xf32>,
        %get3A_95 = vector.shape_cast %get3A_94 : vector<16xf32> to vector<16xf32>
        %mul3A_96 = arith.constant 512 : i32
        %mul3A_97 = arith.muli %add3A_70, %mul3A_96 : i32
        %add3A_98 = arith.addi %mul3A_97, %mul3A_92 : i32
        %get3A_99 = arith.index_cast %add3A_98 : i32 to index
        %get3A_100 = tpu.vector_load %arg7[%get3A_99] {strides = array<i32>} : memref<13312xf32, #tpu.memory_space<vmem>>, vector<16xf32>,
        %get3A_101 = vector.shape_cast %get3A_100 : vector<16xf32> to vector<16xf32>
        %add3A_102 = arith.addf %get3A_95, %get3A_101 : vector<16xf32>
        %swap3A = arith.index_cast %mul3A_92 : i32 to index
        %swap3A_103 = tpu.vector_load %arg8[%swap3A] {strides = array<i32>} : memref<512xf32, #tpu.memory_space<vmem>>, vector<16xf32>,
        %swap3A_104 = vector.shape_cast %swap3A_103 : vector<16xf32> to vector<16xf32>
        %swap3A_105 = vector.shape_cast %add3A_102 : vector<16xf32> to vector<16xf32>
        tpu.vector_store %arg8[%swap3A], %swap3A_105 {strides = array<i32>} : memref<512xf32, #tpu.memory_space<vmem>>, vector<16xf32>,
      }
      %scan3A_85 = arith.constant 32 : i32
    }
    %scan3A_43 = arith.constant 24 : i32
    %dma_wait3A_44 = arith.constant 25 : i32
    %dma_wait3A_45 = arith.constant 12800 : i32
    %dma_wait3A_46 = tpu.memref_slice %arg7[%dma_wait3A_45] : memref<13312xf32, #tpu.memory_space<vmem>> -> memref<512xf32, #tpu.memory_space<vmem>>
    %dma_wait3A_47 = arith.constant 0 : i32
    %dma_wait3A_48 = tpu.memref_slice %arg3[%dma_wait3A_47] : memref<1000000xf32, #tpu.memory_space<hbm>> -> memref<512xf32, #tpu.memory_space<hbm>>
    %dma_wait3A_49 = tpu.memref_slice %arg12[%dma_wait3A_44] : memref<26x!tpu.dma_semaphore, #tpu.memory_space<semaphore_mem>> -> memref<1x!tpu.dma_semaphore, #tpu.memory_space<semaphore_mem>>
    %dma_wait3A_50 = tpu.memref_squeeze %dma_wait3A_49 : memref<1x!tpu.dma_semaphore, #tpu.memory_space<semaphore_mem>> -> memref<!tpu.dma_semaphore, #tpu.memory_space<semaphore_mem>>
    %dma_wait3A_51 = arith.constant 12800 : i32
    %dma_wait3A_52 = tpu.memref_slice %arg7[%dma_wait3A_51] : memref<13312xf32, #tpu.memory_space<vmem>> -> memref<512xf32, #tpu.memory_space<vmem>>
    %dma_wait3A_53 = arith.constant 0 : i32
    %dma_wait3A_54 = tpu.memref_slice %arg3[%dma_wait3A_53] : memref<1000000xf32, #tpu.memory_space<hbm>> -> memref<512xf32, #tpu.memory_space<hbm>>
    tpu.wait_dma2 semaphore(%dma_wait3A_50 : memref<!tpu.dma_semaphore, #tpu.memory_space<semaphore_mem>>) src(%dma_wait3A_54 : memref<512xf32, #tpu.memory_space<hbm>>) dst(%dma_wait3A_52 : memref<512xf32, #tpu.memory_space<vmem>>)
    %dma_wait3A_55 = arith.constant 0 : i32
    %dma_wait3A_56 = tpu.memref_slice %arg10[%dma_wait3A_55] : memref<16xf32, #tpu.memory_space<vmem>> -> memref<1xf32, #tpu.memory_space<vmem>>
    %dma_wait3A_57 = arith.constant 0 : i32
    %dma_wait3A_58 = tpu.memref_slice %arg10[%dma_wait3A_57] : memref<16xf32, #tpu.memory_space<vmem>> -> memref<1xf32, #tpu.memory_space<vmem>>
    tpu.wait_dma2 semaphore(%arg11 : memref<!tpu.dma_semaphore, #tpu.memory_space<semaphore_mem>>) src(%arg4 : memref<1xf32, #tpu.memory_space<hbm>>) dst(%dma_wait3A_58 : memref<1xf32, #tpu.memory_space<vmem>>)
    %get3A = arith.constant 0 : index
    %get3A_59 = tpu.vector_load %arg10[%get3A] {strides = array<i32>} : memref<16xf32, #tpu.memory_space<vmem>>, vector<16xf32>,
    %get3A_60 = vector.shape_cast %get3A_59 : vector<16xf32> to vector<16xf32>
    %slice3A = vector.extract_strided_slice %get3A_60 {offsets = [0], sizes = [1], strides = [1]} : vector<16xf32> to vector<1xf32>
    %squeeze3A = vector.extract %slice3A[0] : f32 from vector<1xf32>
    %scan3A_61 = arith.constant 0 : i32
    %scan3A_62 = arith.constant 32 : i32
    %scan3A_63 = arith.addi %scan3A_61, %scan3A_62 : i32
    %scan3A_64 = arith.constant 1 : i32
    scf.for %scan3A_66 = %scan3A_61 to %scan3A_63 step %scan3A_64  : i32 {
      %mul3A_67 = arith.constant 1 : i32
      %mul3A_68 = arith.muli %scan3A_66, %mul3A_67 : i32
      %add3A_69 = arith.constant 0 : i32
      %add3A_70 = arith.addi %add3A_69, %mul3A_68 : i32
      %mul3A_71 = arith.constant 16 : i32
      %mul3A_72 = arith.muli %add3A_70, %mul3A_71 : i32
      %get3A_73 = arith.index_cast %mul3A_72 : i32 to index
      %get3A_74 = tpu.vector_load %arg8[%get3A_73] {strides = array<i32>} : memref<512xf32, #tpu.memory_space<vmem>>, vector<16xf32>,
      %get3A_75 = vector.shape_cast %get3A_74 : vector<16xf32> to vector<16xf32>
      %add3A_76 = arith.constant 12800 : i32
      %add3A_77 = arith.addi %add3A_76, %mul3A_72 : i32
      %get3A_78 = arith.index_cast %add3A_77 : i32 to index
      %get3A_79 = tpu.vector_load %arg7[%get3A_78] {strides = array<i32>} : memref<13312xf32, #tpu.memory_space<vmem>>, vector<16xf32>,
      %get3A_80 = vector.shape_cast %get3A_79 : vector<16xf32> to vector<16xf32>
      %add3A_81 = arith.addf %get3A_75, %get3A_80 : vector<16xf32>
      %add3A_82 = vector.broadcast %squeeze3A : f32 to vector<16xf32>
      %add3A_83 = arith.addf %add3A_81, %add3A_82 : vector<16xf32>
      %neg3A = arith.constant 0.000000e+00 : f32
      %neg3A_84 = vector.broadcast %neg3A : f32 to vector<16xf32>
      %neg3A_85 = arith.subf %neg3A_84, %add3A_83 : vector<16xf32>
      %exp3A = math.exp %neg3A_85 : vector<16xf32>
      %add3A_86 = arith.constant 1.000000e+00 : f32
      %add3A_87 = vector.broadcast %add3A_86 : f32 to vector<16xf32>
      %add3A_88 = arith.addf %add3A_87, %exp3A : vector<16xf32>
      %div3A = arith.constant 1.000000e+00 : f32
      %div3A_89 = vector.broadcast %div3A : f32 to vector<16xf32>
      %div3A_90 = arith.divf %div3A_89, %add3A_88 : vector<16xf32>
      %swap3A = arith.index_cast %mul3A_72 : i32 to index
      %swap3A_91 = tpu.vector_load %arg9[%swap3A] {strides = array<i32>} : memref<512xf32, #tpu.memory_space<vmem>>, vector<16xf32>,
      %swap3A_92 = vector.shape_cast %swap3A_91 : vector<16xf32> to vector<16xf32>
      %swap3A_93 = vector.shape_cast %div3A_90 : vector<16xf32> to vector<16xf32>
      tpu.vector_store %arg9[%swap3A], %swap3A_93 {strides = array<i32>} : memref<512xf32, #tpu.memory_space<vmem>>, vector<16xf32>,
    }
    %scan3A_65 = arith.constant 32 : i32
    "tpu.region"() ({
      %run_scoped3A = tpu.sem_alloc : memref<!tpu.dma_semaphore, #tpu.memory_space<semaphore_mem>>
      %dma_start3A_66 = tpu.memref_slice %arg5[%mul3A_2] : memref<16384xf32, #tpu.memory_space<hbm>> -> memref<512xf32, #tpu.memory_space<hbm>>
      %dma_start3A_67 = tpu.memref_slice %arg5[%mul3A_2] : memref<16384xf32, #tpu.memory_space<hbm>> -> memref<512xf32, #tpu.memory_space<hbm>>
      tpu.enqueue_dma source(%arg9 : memref<512xf32, #tpu.memory_space<vmem>>) target(%dma_start3A_67 : memref<512xf32, #tpu.memory_space<hbm>>) target_semaphore(%run_scoped3A : memref<!tpu.dma_semaphore, #tpu.memory_space<semaphore_mem>>)
      %dma_wait3A_68 = tpu.memref_slice %arg5[%mul3A_2] : memref<16384xf32, #tpu.memory_space<hbm>> -> memref<512xf32, #tpu.memory_space<hbm>>
      %dma_wait3A_69 = tpu.memref_slice %arg5[%mul3A_2] : memref<16384xf32, #tpu.memory_space<hbm>> -> memref<512xf32, #tpu.memory_space<hbm>>
      tpu.wait_dma2 semaphore(%run_scoped3A : memref<!tpu.dma_semaphore, #tpu.memory_space<semaphore_mem>>) src(%arg9 : memref<512xf32, #tpu.memory_space<vmem>>) dst(%dma_wait3A_69 : memref<512xf32, #tpu.memory_space<hbm>>)
      tpu.yield
    }) : () -> ()
    return
  }
}

</mosaic_0001>

<sc_bundles>
// kernel: kernel.3.cloned.1.call-start
scs
__scs_entry_jumppad:
0x0: {  	(pc) =	sbr.rel $0x88, $3  }
0x1: {  	(tag) =	ssettag $0x0;
	lr =	simm.s32 $0x1  }
0x2: {  	[smem:$0x3F9E] =	sst lr;
	_ =	strace $0xD0000000  }
0x3: {  	_ = 	snop  }
0x4: {  	_ = 	snop  }
0x5: {  	_ = 	snop  }
0x6: {  	_ = 	snop  }
0x7: {  	_ = 	snop  }
__scs_overlays_trampoline_lowered:
0x8: {  	[smem:$0x3FAD] =	sst s0  }
0x9: {  	[smem:$0x3FAE] =	sst s1  }
0xa: {  	[smem:$0x3FAF] =	sst s2  }
0xb: {  	[smem:$0x3FB0] =	sst s3  }
0xc: {  	[smem:$0x3FB1] =	sst s4  }
0xd: {  	[smem:$0x3FB2] =	sst s5  }
0xe: {  	[smem:$0x3FB3] =	sst s6  }
0xf: {  	[smem:$0x3FB4] =	sst s7  }
0x10: {  	[smem:$0x3FB5] =	sst s8  }
0x11: {  	[smem:$0x3FB6] =	sst s9;
	s0 =	simm.s32 @!p0 $0x0  }
0x12: {  	s1 =	sld [smem:$0x3F9C];
	s0 =	simm.s32 @p0 $0x1  }
0x13: {  	[smem:$0x3FB7] =	sst s0;
	s0 =	simm.s32 @!p1 $0x0  }
0x14: {  	s2 =	sld [smem:$0x3F9B];
	s0 =	simm.s32 @p1 $0x1  }
0x15: {  	[smem:$0x3FB8] =	sst s0;
	s0 =	simm.s32 @!p2 $0x0  }
0x16: {  	s3 =	sld [smem:$0x3FDB];
	s0 =	simm.s32 @p2 $0x1  }
0x17: {  	s4 =	simm.s32 $0x1BF5;
	[smem:$0x3FBA] =	sst s0  }
0x18: {  	s0 =	sld [smem:$0x3F9D];
	_ =	swait.ge [sflag:s4], $0x0  }
0x19: {  	s7 =	sld [smem:$0x3F9E]  }
0x1a: {  	s8 =	sadd.s32 $0xFFFFE003, lr  }
0x1b: {  	s9 =	sadd.s32 $0xFFFFFEF7, lr;
	s5 =	simm.s32 $0xFFFFFFFF;
	p2 =	slt.u32 s8, $0xFFFFF086  }
0x1c: {  	p1 =	slt.u32 s9, $0xF7A;
	s5 =	simm.s32 @!p2 $0x0  }
0x1d: {  	s5 =	simm.s32 @p1 $0x1;
	p0 =	seq.s32 s7, s2  }
0x1e: {  	s7 =	smul.u32 @!p0 $0xF7A, s2;
	p2 =	seq.s32 @!p0 s5, $0x0  }
0x1f: {  	s9 =	smul.u32 $0xF7A, s1;
	s8 =	simm.s32 @!p0 $0x1BF5;
	p2 =	por !p2, p0  }
0x20: {  	[sflag:s8] =	ssyncset.s32 @!p0 $0xFFFFF086;
	s6 =	sadd.s32 @!p0 s3, s7;
	s7 =	simm.s32 @!p0 $0x108  }
0x21: {  	s3 =	sadd.s32 s3, s9;
	s6 =	sadd.s32 @!p0 $0x88, s6;
	s7 =	simm.s32 @p2 $0x1082  }
0x22: {  	[simem:s7], [sflag:s8] =	dma.local @!p0 [hbm:s6], $0xF7A  }
0x23: {  	s9 =	sor.u32 $0xD0000000, s2;
	s6 =	simm.s32 $0x108;
	_ =	swait.ge @!p0 [sflag:s8], $0x0  }
0x24: {  	s3 =	sadd.s32 $0x88, s3;
	s6 =	simm.s32 @!p1 $0x1082;
	[sflag:s4] =	ssyncset.s32 $0xFFFFF086  }
0x25: {  	[simem:s6], [sflag:s4] =	dma.local [hbm:s3], $0xF7A  }
0x26: {  	[smem:$0x3F9E] =	sst s1;
	(tag) =	ssettag s2;
	_ =	strace s9  }
0x27: {  	s1 =	sld [smem:$0x3FAE]  }
0x28: {  	s2 =	sld [smem:$0x3FAF]  }
0x29: {  	s4 =	sld [smem:$0x3FB1]  }
0x2a: {  	p0 =	seq.s32 s5, $0x0;
	s5 =	sld [smem:$0x3FB2]  }
0x2b: {  	s6 =	sld [smem:$0x3FB3]  }
0x2c: {  	s7 =	sld [smem:$0x3FB4]  }
0x2d: {  	s3 =	simm.s32 $0x108;
	s8 =	sld [smem:$0x3FB5]  }
0x2e: {  	s3 =	simm.s32 @!p0 $0x1082;
	s9 =	sld [smem:$0x3FB6]  }
0x2f: {  	lr =	sadd.s32 s0, s3;
	s0 =	sld [smem:$0x3FAD]  }
0x30: {  	s3 =	sld [smem:$0x3FB0]  }
0x31: {  	[smem:$0x3FB9] =	sst s10  }
0x32: {  	s10 =	sld [smem:$0x3FB7];
	_ =	sdelay $0x3  }
0x33: {  	p0 =	seq.s32 s10, $0x1;
	s10 =	sld [smem:$0x3FB9];
	_ =	sdelay $0x3  }
0x34: {  	[smem:$0x3FB9] =	sst s10  }
0x35: {  	s10 =	sld [smem:$0x3FB8];
	_ =	sdelay $0x3  }
0x36: {  	p1 =	seq.s32 s10, $0x1;
	s10 =	sld [smem:$0x3FB9];
	_ =	sdelay $0x3  }
0x37: {  	[smem:$0x3FB9] =	sst s10  }
0x38: {  	s10 =	sld [smem:$0x3FBA]  }
0x39: {  	_ = 	snop;
	(pc) =	sbr.ind lr, $3  }
0x3a: {  	_ = 	snop  }
0x3b: {  	_ = 	snop  }
0x3c: {  	p2 =	seq.s32 s10, $0x1;
	s10 =	sld [smem:$0x3FB9]  }
0x3d: {  	_ =	shalt  }
0x3e: {  	_ =	shalt  }
0x3f: {  	_ =	shalt  }
0x40: {  	_ =	shalt  }
0x41: {  	_ =	shalt  }
0x42: {  	_ =	shalt  }
0x43: {  	_ =	shalt  }
0x44: {  	_ =	shalt  }
0x45: {  	_ =	shalt  }
0x46: {  	_ =	shalt  }
0x47: {  	_ =	shalt  }
0x48: {  	_ =	shalt  }
0x49: {  	_ =	shalt  }
0x4a: {  	_ =	shalt  }
0x4b: {  	_ =	shalt  }
0x4c: {  	_ =	shalt  }
0x4d: {  	_ =	shalt  }
0x4e: {  	_ =	shalt  }
0x4f: {  	_ =	shalt  }
0x50: {  	_ =	shalt  }
0x51: {  	_ =	shalt  }
0x52: {  	_ =	shalt  }
0x53: {  	_ =	shalt  }
0x54: {  	_ =	shalt  }
0x55: {  	_ =	shalt  }
0x56: {  	_ =	shalt  }
0x57: {  	_ =	shalt  }
0x58: {  	_ =	shalt  }
0x59: {  	_ =	shalt  }
0x5a: {  	_ =	shalt  }
0x5b: {  	_ =	shalt  }
0x5c: {  	_ =	shalt  }
0x5d: {  	_ =	shalt  }
0x5e: {  	_ =	shalt  }
0x5f: {  	_ =	shalt  }
0x60: {  	_ =	shalt  }
0x61: {  	_ =	shalt  }
0x62: {  	_ =	shalt  }
0x63: {  	_ =	shalt  }
0x64: {  	_ =	shalt  }
0x65: {  	_ =	shalt  }
0x66: {  	_ =	shalt  }
0x67: {  	_ =	shalt  }
0x68: {  	_ =	shalt  }
0x69: {  	_ =	shalt  }
0x6a: {  	_ =	shalt  }
0x6b: {  	_ =	shalt  }
0x6c: {  	_ =	shalt  }
0x6d: {  	_ =	shalt  }
0x6e: {  	_ =	shalt  }
0x6f: {  	_ =	shalt  }
0x70: {  	_ =	shalt  }
0x71: {  	_ =	shalt  }
0x72: {  	_ =	shalt  }
0x73: {  	_ =	shalt  }
0x74: {  	_ =	shalt  }
0x75: {  	_ =	shalt  }
0x76: {  	_ =	shalt  }
0x77: {  	_ =	shalt  }
0x78: {  	_ =	shalt  }
0x79: {  	_ =	shalt  }
0x7a: {  	_ =	shalt  }
0x7b: {  	_ =	shalt  }
0x7c: {  	_ =	shalt  }
0x7d: {  	_ =	shalt  }
0x7e: {  	_ =	shalt  }
0x7f: {  	_ =	shalt  }
0x80: {  	_ =	shalt  }
0x81: {  	_ =	shalt  }
0x82: {  	_ =	shalt  }
0x83: {  	_ =	shalt  }
0x84: {  	_ =	shalt  }
0x85: {  	_ =	shalt  }
0x86: {  	_ =	shalt  }
0x87: {  	_ =	shalt  }
.Lfunc_end0:
.L_simem_size_0:
called_computation_lowered:
.L_overlay_start_0:
0x88: {  	s2 =	sld [smem:$0x3FD9]  }
0x89: {  	s3 =	sld [smem:$0x3FFE];
	_ =	sdelay $0x1  }
0x8a: {  	s1 =	srdreg.scid  }
0x8b: {  	s0 =	sand.u32 $0x1, s1  }
0x8c: {  	s17 =	sshll.u32 s0, $0xA;
	s2 =	sadd.s32 s3, s2  }
0x8d: {  	s2 =	sadd.s32 s2, s17  }
0x8e: {  	[smem:$0x3FC5] =	sst s2  }
0x8f: {  	_ = 	snop  }
0x90: {  	s2 =	sld [smem:$0x3FC7]  }
0x91: {  	s18 =	sld [smem:$0x3FD0];
	(tm) =	ssettm $0x1  }
0x92: {  	s4 =	sld [smem:$0x3FFB];
	_ =	sdelay $0x3  }
0x93: {  	_ =	strace s4  }
0x94: {  	s4 =	sld [smem:$0x3FFC];
	_ =	sdelay $0x3  }
0x95: {  	_ =	strace s4  }
0x96: {  	s4 =	sld [smem:$0x3FFD];
	_ =	sdelay $0x3  }
0x97: {  	_ =	strace s4  }
0x98: {  	_ =	strace $0x8FFFFFFF  }
0x99: {  	s19 =	sld [smem:$0x3FDB];
	_ =	sdelay $0x1  }
0x9a: {  	s5 =	simm.s32 $_scs_section_size  }
0x9b: {  	s6 =	simm.s32 $_size__tile_overlayer_lowered;
	s7 =	simm.s32 $_tile_overlayer_lowered  }
0x9c: {  	s22 =	simm.s32 $0x1BFF;
	s21 =	sshll.u32 s7, $0x1;
	s4 =	sadd.s32 s5, s19  }
0x9d: {  	s8 =	simm.s32 $0x0;
	s20 =	sshll.u32 s6, $0x1;
	s6 =	sadd.s32 s21, s4  }
0x9e: {  	[timem:s8], [sflag:s22] =	dma.local [hbm:s6], s20  }
0x9f: {  	_ =	swait.ge [sflag:s22], s20  }
0xa0: {  	s5 =	ssub.s32 $0x0, s20;
	[sflag:s22] =	ssyncset.done $0x0  }
0xa1: {  	[sflag:s22] =	ssyncadd.s32 s5;
	_ =	sdelay $0x1  }
0xa2: {  	s23 =	simm.s32 $0x1B8B  }
0xa3: {  	_ =	swait.ge [sflag:s23], $0x1  }
0xa4: {  	[sflag:s23] =	ssyncset.done $0x0  }
0xa5: {  	s25 =	simm.s32 $0x1B8E;
	s24 =	sld [smem:$0x3FFE];
	[sflag:s23] =	ssyncadd.s32 $0xFFFFFFFF  }
0xa6: {  	s26 =	simm.s32 $execute0_lowered;
	[smem:$0x3FD2] =	sst s25  }
0xa7: {  	s6 =	sshll.u32 s26, $0x1;
	_ =	strace $0x80000046;
	[dreg:$0x1] =	wrdreg $0xFFFFFFFF  }
0xa8: {  	s28 =	simm.s32 $_size_execute0_lowered;
	s4 =	sadd.s32 s4, s6;
	[dreg:$0x0] =	wrdreg $0x0  }
0xa9: {  	s6 =	sshll.u32 s28, $0x1;
	[dreg:$0x2] =	wrdreg s4  }
0xaa: {  	[dreg:$0x3] =	wrdreg s6  }
0xab: {  	[dreg:$0x4] =	wrdreg $0xC0  }
0xac: {  	_ =	task [dreg:s8], $0x5FFFF  }
0xad: {  	[dreg:$0x1] =	wrdreg $0xFFFFFFFF  }
0xae: {  	[dreg:$0x0] =	wrdreg $0x60  }
0xaf: {  	[dreg:$0x2] =	wrdreg s24  }
0xb0: {  	[dreg:$0x3] =	wrdreg s2  }
0xb1: {  	[dreg:$0x4] =	wrdreg s18  }
0xb2: {  	[dreg:$0x5] =	wrdreg $0x9  }
0xb3: {  	_ =	task.clear_ibuf [dreg:s8], $0x6FFFF;
	_ =	strace $0x90000046  }
0xb4: {  	s29 =	simm.s32 $0x9;
	_ =	strace $0x80000048  }
0xb5: {  	_ =	swait.ge [sflag:s29], $0x1  }
0xb6: {  	[sflag:s29] =	ssyncadd.s32 $0xFFFFFFFF  }
0xb7: {  	_ =	strace $0x90000048  }
0xb8: {  	_ =	sfence  }
0xb9: {  	s30 =	sld [smem:$0x0];
	_ =	sdelay $0x2  }
0xba: {  	s31 =	sshll.u32 s1, $0xD;
	s1 =	sshrl.u32 s1, $0x2  }
0xbb: {  	s3 =	sand.u32 $0x4000, s31;
	s1 =	sadd.s32 s1, s30  }
0xbc: {  	s0 =	sor.u32 s3, s0;
	s1 =	sshll.u32 s1, $0x11  }
0xbd: {  	s0 =	sor.u32 s1, s0  }
0xbe: {  	s0 =	sadd.s32 $0x8F2B, s0  }
0xbf: {  	[sflag:s0] =	ssyncadd.remote.s32 $0x1  }
0xc0: {  	_ =	sfence.sel $0xFFFF  }
0xc1: {  	[dreg:$0x0] =	wrdreg $0xFFFFFFFF;
	(pc) =	sbr.abs _section_cstart, $3  }
0xc2: {  	[dreg:$0x1] =	wrdreg $0xFFFFFFFF  }
0xc3: {  	_ =	task.clear_ibuf [dreg:s8], $0x2FFFF;
	_ =	strace $0x9FFFFFFF  }
0xc4: {  	(tm) =	ssettm $0x7FFFFFFF  }
0xc5: {  	_ =	shalt  }
tec
execute0_lowered:
.L_overlay_start_1:
0x0: {  	(tag) =	ssettag $0x1  }
0x1: {  	s4 =	rddreg [dreg:$0x0]  }
0x2: {  	s2 =	rddreg [dreg:$0x1]  }
0x3: {  	s6 =	rddreg [dreg:$0x2];
	s3 =	srdreg.scid  }
0x4: {  	s0 =	rddreg [dreg:$0x3];
	s1 =	stileid.u32;
	s11 =	simm.s32 $0x1  }
0x5: {  	s12 =	simm.s32 $0x80;
	s13 =	simm.s32 $0x2;
	s14 =	simm.s32 $0x1B  }
0x6: {  	s15 =	simm.s32 $0x6A00;
	s16 =	simm.s32 $0x1C;
	s17 =	simm.s32 $0x0  }
0x7: {  	s5 =	sand.u32 $0x1, s3;
	s3 =	simm.s32 $0x0;
	s7 =	sshll.u32 s1, $0x6  }
0x8: {  	s8 =	sshll.u32 s5, $0xA;
	[smem:$0x7FF] =	sst s3;
	s9 =	sand.u32 $0x40, s7  }
0x9: {  	s5 =	ssub.s32 $0x2, s5;
	s7 =	sor.u32 s7, s8;
	s29 =	sadd.s32 s9, s4  }
0xa: {  	_ =	strace $0x80000047;
	s10 =	sshrl.u32 s5, $0x1;
	s4 =	sadd.s32 $0xD200, s4  }
0xb: {  	s9 =	simm.s32 $0x4000;
	s30 =	sand.u32 $0x780, s7;
	s31 =	ssub.s32 s5, s10  }
0xc: {  	s6 =	sadd.s32 s6, s7;
	s10 =	simm.s32 $0x6C00;
	s8 =	sadd.s32 s30, s29  }
0xd: {  	s7 =	smax.u32 s31, $0x1;
	s5 =	sadd.s32 $0x200, s8;
	s8 =	simm.s32 $0x200  }
.LBB2_1:
0xe: {  	[tilespmem:s3], [sflag:$0x1] =	stream.strided.gather [hbm4b:s5+s8], $0x3400, s9, s8, $0x38;
	[tilespmem:$0x6C80] =	vst v63  }
0xf: {  	_ = 	snop  }
0x10: {  	[tilespmem:s10], [sflag:$0x1] =	stream.linear.gather [hbm4b:s2+s3], $0x1, $0x38;
	[tilespmem:$0x6C80] =	vst v63  }
0x11: {  	s18 =	simm.s32 $0x0;
	s19 =	simm.s32 $0x3400;
	_ =	swait.ge [sflag:s11], $0x3400  }
0x12: {  	s28 =	simm.s32 $0x3480;
	s29 =	simm.s32 $0x80;
	[sflag:s11] =	ssyncset.done $0x0  }
0x13: {  	s30 =	simm.s32 $0x3500;
	s31 =	simm.s32 $0x100;
	[sflag:s11] =	ssyncadd.s32 $0xFFFFCC00  }
0x14: {  	[tilespmem:s19], [sflag:s13] =	stream.indirect.gather [hbm4b:s4+s12], $0x1, s18, s12, $0xb8;
	[tilespmem:$0x6C80] =	vst v63  }
0x15: {  	s21 =	simm.s32 $0x1000;
	s22 =	simm.s32 $0x3580;
	s23 =	simm.s32 $0x180  }
0x16: {  	[tilespmem:s28], [sflag:s13] =	stream.indirect.gather [hbm4b:s4+s12], $0x1, s29, s12, $0xb8;
	[tilespmem:$0x6C80] =	vst v63  }
0x17: {  	s20 =	simm.s32 $0x2;
	s19 =	simm.s32 $0x200;
	s18 =	simm.s32 $0x3  }
0x18: {  	[tilespmem:s30], [sflag:s13] =	stream.indirect.gather [hbm4b:s4+s12], $0x1, s31, s12, $0xb8;
	[tilespmem:$0x6C80] =	vst v63  }
.LBB2_2:
0x19: {  	[tilespmem:s22], [sflag:s20] =	stream.indirect.gather [hbm4b:s4+s12], $0x1, s23, s12, $0xb8;
	[tilespmem:$0x6C80] =	vst v63  }
0x1a: {  	s23 =	smov.u32 s19;
	s19 =	smov.u32 s21;
	s20 =	smov.u32 s18  }
0x1b: {  	s24 =	sadd.s32 $0x800, s21;
	s19 =	sshra.s32 s19, $0x2;
	s22 =	sadd.s32 $0x3400, s23  }
0x1c: {  	[tilespmem:s22], [sflag:s18] =	stream.indirect.gather [hbm4b:s4+s12], $0x1, s23, s12, $0xb8;
	[tilespmem:$0x6C80] =	vst v63  }
0x1d: {  	p0 =	sne.s32 s21, $0xC800;
	s25 =	sadd.s32 $0x80, s23;
	s22 =	sadd.s32 $0x3480, s23  }
0x1e: {  	[tilespmem:s22], [sflag:s18] =	stream.indirect.gather [hbm4b:s4+s12], $0x1, s25, s12, $0xb8;
	[tilespmem:$0x6C80] =	vst v63  }
.Ltmp0:
0x1f: {  	_ = 	snop;
	(pc) =	sbr.rel @p0 .LBB2_2-.Ltmp0, $4  }
0x20: {  	s21 =	sadd.s32 $0x3500, s23;
	s22 =	sadd.s32 $0x100, s23  }
0x21: {  	[tilespmem:s21], [sflag:s18] =	stream.indirect.gather [hbm4b:s4+s12], $0x1, s22, s12, $0xb8;
	[tilespmem:$0x6C80] =	vst v63  }
0x22: {  	s22 =	sadd.s32 $0x3580, s23  }
0x23: {  	s23 =	sadd.s32 $0x180, s23;
	s18 =	sadd.s32 $0x1, s18;
	s21 =	smov.u32 s24  }
0x24: {  	[tilespmem:s22], [sflag:s20] =	stream.indirect.gather [hbm4b:s4+s12], $0x1, s23, s12, $0xb8;
	[tilespmem:$0x6C80] =	vst v63  }
0x25: {  	s25 =	sadd.s32 $0x3400, s19  }
0x26: {  	[tilespmem:s25], [sflag:s18] =	stream.indirect.gather [hbm4b:s4+s12], $0x1, s19, s12, $0xb8;
	[tilespmem:$0x6C80] =	vst v63  }
0x27: {  	s26 =	sadd.s32 $0x3480, s19;
	s21 =	sadd.s32 $0x80, s19  }
0x28: {  	[tilespmem:s26], [sflag:s18] =	stream.indirect.gather [hbm4b:s4+s12], $0x1, s21, s12, $0xb8;
	[tilespmem:$0x6C80] =	vst v63  }
0x29: {  	s28 =	sadd.s32 $0x3500, s19;
	s29 =	sadd.s32 $0x100, s19  }
0x2a: {  	[tilespmem:s28], [sflag:s18] =	stream.indirect.gather [hbm4b:s4+s12], $0x1, s29, s12, $0xb8;
	[tilespmem:$0x6C80] =	vst v63  }
0x2b: {  	s30 =	sadd.s32 $0x3580, s19;
	s31 =	sadd.s32 $0x180, s19  }
0x2c: {  	[tilespmem:s30], [sflag:s18] =	stream.indirect.gather [hbm4b:s4+s12], $0x1, s31, s12, $0xb8;
	[tilespmem:$0x6C80] =	vst v63  }
0x2d: {  	_ =	swait.ge [sflag:s13], $0x200  }
0x2e: {  	[sflag:s13] =	ssyncset.done $0x0  }
0x2f: {  	s19 =	simm.s32 $0x0;
	[sflag:s13] =	ssyncadd.s32 $0xFFFFFE00  }
0x30: {  	s20 =	simm.s32 $0x40;
	s18 =	simm.s32 $0x0;
	v0 =	vld [tilespmem:s19+$0x3400]  }
.LBB2_4:
0x31: {  	p0 =	seq.s32 s20, $0x7C0  }
.Ltmp1:
0x32: {  	_ = 	snop;
	(pc) =	sbr.rel @!p0 .LBB2_4-.Ltmp1, $3  }
0x33: {  	_ =	sdelay $0x1  }
0x34: {  	[tilespmem:s19+$0x6800] =	vst v0;
	s19 =	sshra.s32 s20, $0x2;
	s20 =	sadd.s32 $0x40, s20  }
0x35: {  	v0 =	vld [tilespmem:s19+$0x3400]  }
0x36: {  	_ =	sdelay $0x3  }
0x37: {  	[tilespmem:s19+$0x6800] =	vst v0  }
.LBB2_7:
0x38: {  	s19 =	smov.u32 s18;
	s18 =	sadd.s32 $0x1, s18  }
0x39: {  	s20 =	sshll.u32 s18, $0x9  }
0x3a: {  	s29 =	simm.s32 $0x0;
	s21 =	sadd.s32 $0x3, s19;
	s28 =	sand.u32 $0x3FFFFE00, s20  }
0x3b: {  	s22 =	sand.u32 $0x180, s29;
	_ =	swait.ge [sflag:s21], $0x200;
	s19 =	sadd.s32 $0x3400, s28  }
0x3c: {  	s20 =	sand.u32 $0x70, s29;
	[sflag:s21] =	ssyncset.done $0x0;
	s22 =	sadd.s32 s22, s19  }
0x3d: {  	[sflag:s21] =	ssyncadd.s32 $0xFFFFFE00;
	s30 =	sadd.s32 s20, s22  }
0x3e: {  	s20 =	simm.s32 $0x6800;
	v0 =	vld [tilespmem:s30+$0x0]  }
0x3f: {  	v1 =	vld [tilespmem:s20+$0x0];
	_ =	sdelay $0x3  }
0x40: {  	s31 =	simm.s32 $0x10  }
0x41: {  	s23 =	sand.u32 $0x180, s31;
	v0 =	vadd.f32 v0, v1  }
0x42: {  	s23 =	sadd.s32 s23, s19;
	s21 =	simm.s32 $0x20;
	s22 =	sand.u32 $0x70, s31  }
.LBB2_8:
0x43: {  	p0 =	seq.s32 s21, $0x1F0;
	s22 =	sadd.s32 s22, s23;
	[tilespmem:s20+$0x0] =	vst v0  }
0x44: {  	s20 =	sadd.s32 $0x10, s20;
	v0 =	vld [tilespmem:s22+$0x0]  }
0x45: {  	v1 =	vld [tilespmem:s20+$0x0];
	_ =	sdelay $0x1  }
.Ltmp2:
0x46: {  	(pc) =	sbr.rel @!p0 .LBB2_8-.Ltmp2, $3  }
0x47: {  	_ =	sdelay $0x1  }
0x48: {  	s23 =	sand.u32 $0x180, s21;
	v0 =	vadd.f32 v0, v1  }
0x49: {  	s22 =	sand.u32 $0x70, s21;
	s23 =	sadd.s32 s23, s19;
	s21 =	sadd.s32 $0x10, s21  }
0x4a: {  	s19 =	sadd.s32 s22, s23;
	[tilespmem:s20+$0x0] =	vst v0  }
0x4b: {  	s31 =	sadd.s32 $0x10, s20;
	v0 =	vld [tilespmem:s19+$0x0]  }
0x4c: {  	v1 =	vld [tilespmem:s31+$0x0];
	_ =	sdelay $0x4  }
0x4d: {  	v0 =	vadd.f32 v0, v1;
	_ =	sdelay $0x1  }
0x4e: {  	[tilespmem:s31+$0x0] =	vst v0  }
0x4f: {  	p0 =	seq.s32 s18, $0x18  }
.Ltmp3:
0x50: {  	_ = 	snop;
	(pc) =	sbr.rel @!p0 .LBB2_7-.Ltmp3, $1  }
0x51: {  	_ =	sdelay $0x3  }
0x52: {  	_ =	swait.ge [sflag:s14], $0x200  }
0x53: {  	[sflag:s14] =	ssyncset.done $0x0  }
0x54: {  	[sflag:s14] =	ssyncadd.s32 $0xFFFFFE00  }
0x55: {  	_ =	swait.ge [sflag:s11], $0x1  }
0x56: {  	s18 =	simm.s32 $0x0;
	[sflag:s11] =	ssyncset.done $0x0  }
0x57: {  	s18 =	sand.u32 $0x1F0, s18;
	[sflag:s11] =	ssyncadd.s32 $0xFFFFFFFF  }
0x58: {  	s19 =	simm.s32 $0x6800;
	v1 =	vld [tilespmem:s18+$0x6600]  }
0x59: {  	v2 =	vld [tilespmem:s19+$0x0];
	_ =	sdelay $0x1  }
0x5a: {  	v0 =	vld.msk [tilespmem:$0x6C00 ss:$0x0], $0xffff;
	_ =	sdelay $0x2  }
0x5b: {  	v1 =	vadd.f32 v1, v2;
	_ =	sdelay $0x1  }
0x5c: {  	v1 =	vadd.f32 v1, v0;
	_ =	sdelay $0x1  }
0x5d: {  	v1 =	vsub.f32 $0.0e+00, v1;
	_ =	sdelay $0x1  }
0x5e: {  	v1 =	vmul.f32 $1.442695020e+00, v1;
	_ =	sdelay $0x1  }
0x5f: {  	(erf) = vpow2.f32 v1;
	_ =	sdelay $0x8  }
0x60: {  	v1 =	vpop (erf)  }
0x61: {  	v1 =	vadd.f32 $1.000000000e+00, v1;
	_ =	sdelay $0x1  }
0x62: {  	(erf) = vrcp.f32 v1;
	_ =	sdelay $0x8  }
0x63: {  	s31 =	simm.s32 $0x10;
	s18 =	simm.s32 $0x6A00;
	v1 =	vpop (erf)  }
0x64: {  	s19 =	sand.u32 $0x1F0, s31;
	[tilespmem:s18+$0x0] =	vst v1  }
0x65: {  	s20 =	simm.s32 $0x20;
	v1 =	vld [tilespmem:s19+$0x6600];
	s19 =	simm.s32 $0x6810  }
.LBB2_11:
0x66: {  	p0 =	sne.s32 s20, $0x1F0;
	v2 =	vld [tilespmem:s19+$0x0];
	_ =	sdelay $0x4  }
0x67: {  	v1 =	vadd.f32 v1, v2;
	_ =	sdelay $0x1  }
0x68: {  	v1 =	vadd.f32 v1, v0;
	_ =	sdelay $0x1  }
0x69: {  	v1 =	vsub.f32 $0.0e+00, v1;
	_ =	sdelay $0x1  }
0x6a: {  	v1 =	vmul.f32 $1.442695020e+00, v1;
	_ =	sdelay $0x1  }
0x6b: {  	(erf) = vpow2.f32 v1;
	_ =	sdelay $0x8  }
0x6c: {  	v1 =	vpop (erf)  }
0x6d: {  	v1 =	vadd.f32 $1.000000000e+00, v1;
	_ =	sdelay $0x1  }
0x6e: {  	(erf) = vrcp.f32 v1;
	_ =	sdelay $0x6  }
.Ltmp4:
0x6f: {  	(pc) =	sbr.rel @p0 .LBB2_11-.Ltmp4, $4  }
0x70: {  	_ = 	snop  }
0x71: {  	s18 =	sadd.s32 $0x10, s18;
	v1 =	vpop (erf)  }
0x72: {  	s21 =	sand.u32 $0x1F0, s20;
	[tilespmem:s18+$0x0] =	vst v1  }
0x73: {  	s20 =	sadd.s32 $0x10, s20;
	s19 =	sadd.s32 $0x10, s19;
	v1 =	vld [tilespmem:s21+$0x6600]  }
0x74: {  	v2 =	vld [tilespmem:s19+$0x0];
	_ =	sdelay $0x4  }
0x75: {  	v1 =	vadd.f32 v1, v2;
	_ =	sdelay $0x1  }
0x76: {  	v0 =	vadd.f32 v1, v0;
	_ =	sdelay $0x1  }
0x77: {  	v0 =	vsub.f32 $0.0e+00, v0;
	_ =	sdelay $0x1  }
0x78: {  	v0 =	vmul.f32 $1.442695020e+00, v0;
	_ =	sdelay $0x1  }
0x79: {  	(erf) = vpow2.f32 v0;
	_ =	sdelay $0x8  }
0x7a: {  	v0 =	vpop (erf)  }
0x7b: {  	v0 =	vadd.f32 $1.000000000e+00, v0;
	_ =	sdelay $0x1  }
0x7c: {  	(erf) = vrcp.f32 v0;
	_ =	sdelay $0x7  }
0x7d: {  	s17 =	sadd.s32 $0x1, s17  }
0x7e: {  	s18 =	sadd.s32 $0x10, s18;
	p0 =	sne.s32 s17, s7;
	v0 =	vpop (erf)  }
.Ltmp5:
0x7f: {  	[tilespmem:s18+$0x0] =	vst v0;
	(pc) =	sbr.rel @p0 .LBB2_1-.Ltmp5, $4  }
0x80: {  	[hbm4b:s6+s3] =	stream.linear.scatter [tilespmem:s15], [sflag:$0x1C], $0x200, $0x38;
	[tilespmem:$0x6C80] =	vst v63  }
0x81: {  	_ =	swait.ge [sflag:s16], $0x200  }
0x82: {  	[sflag:s16] =	ssyncset.done $0x0  }
0x83: {  	[sflag:s16] =	ssyncadd.s32 $0xFFFFFE00  }
0x84: {  	_ =	sfence.sel $0x180000  }
0x85: {  	[bflag:$0x0] =	sbarrier.arrive $0xFFFF  }
0x86: {  	p0 =	sne.s32 s1, $0x0;
	_ =	strace $0x90000047  }
0x87: {  	s0 =	sadd.s32 @!p0 $0x100000, s0;
	[bflag:$0x2] =	sbarrier.arrive $0xFFFF  }
0x88: {  	[sflag:s0] =	ssyncadd.tile.s32 @!p0 $0x1;
	_ =	shalt  }
.Lfunc_end2:
_tile_overlayer_lowered:
.L_overlay_start_2:
0x89: {  	(tag) =	ssettag $0x2  }
0x8a: {  	s0 =	rddreg [dreg:$0x0];
	s2 =	stileid.u32  }
0x8b: {  	s1 =	rddreg [dreg:$0x1];
	p0 =	sne.s32 s2, $0x0  }
0x8c: {  	s3 =	rddreg [dreg:$0x2];
	[bflag:$0x3] =	sbarrier.arrive $0xFFFF;
	s2 =	simm.s32 @!p0 $0x1C1C  }
0x8d: {  	[timem:s3], [sflag:s2] =	dma.local @!p0 [hbm:s0], s1  }
0x8e: {  	s0 =	simm.s32 @!p0 $0x1C  }
0x8f: {  	_ =	swait.ge @!p0 [sflag:s0], s1  }
0x90: {  	s1 =	ssub.s32 @!p0 $0x0, s1;
	[sflag:s0] =	ssyncset.done @!p0 $0x0  }
0x91: {  	[sflag:s0] =	ssyncadd.s32 @!p0 s1  }
0x92: {  	[bflag:$0x3] =	sbarrier.arrive $0xFFFF  }
0x93: {  	_ =	shalt  }

</sc_bundles>
